<compile_context>
chip_gen: v7x
topology: tpu7x:2x2x1
jax: 0.10.2.dev20260603
libtpu: 0.0.44.dev20260713+nightly
codegen_flags: <defaults>
</compile_context>

<pallas_src>
import functools

import jax
import jax.numpy as jnp
from jax import lax
from jax.experimental import pallas as pl
from jax.experimental.pallas import tpu as pltpu
from jax.experimental.pallas import tpu_sc as plsc

B, D = 16384, 128
S = 4096
NC, NS = 2, 16
NW = NC * NS
ROWS_W = S // NW
CH = 128
NCH = ROWS_W // CH
RANK = D // 2
LANES = 16
G = RANK // LANES

_mesh = plsc.VectorSubcoreMesh(core_axis_name="c", subcore_axis_name="s")


@functools.partial(
    pl.kernel,
    out_type=jax.ShapeDtypeStruct((S, D), jnp.float32),
    mesh=_mesh,
    scratch_types=[
        pltpu.VMEM((CH, D), jnp.float32),
        pltpu.VMEM((CH, D), jnp.float32),
        pltpu.VMEM((CH, D), jnp.float32),
        pltpu.VMEM((CH, D), jnp.float32),
        pltpu.VMEM((CH, D), jnp.float32),
        pltpu.VMEM((CH, D), jnp.float32),
        pltpu.SemaphoreType.DMA,
        pltpu.SemaphoreType.DMA,
        pltpu.SemaphoreType.DMA,
        pltpu.SemaphoreType.DMA,
        pltpu.SemaphoreType.DMA,
        pltpu.SemaphoreType.DMA,
    ],
)
def _sc_complex(lhs_hbm, rel_hbm, out_hbm, lv0, lv1, rv0, rv1, ov0, ov1,
                sl0, sl1, sr0, sr1, so0, so1):
    lv, rv, ov = [lv0, lv1], [rv0, rv1], [ov0, ov1]
    sl, sr, so = [sl0, sl1], [sr0, sr1], [so0, so1]

    wid = lax.axis_index("s") * NC + lax.axis_index("c")
    base = wid * ROWS_W

    def start_in(ci):
        b = ci % 2
        row0 = base + ci * CH
        cl = pltpu.make_async_copy(lhs_hbm.at[pl.ds(row0, CH)], lv[b], sl[b])
        cr = pltpu.make_async_copy(rel_hbm.at[pl.ds(row0, CH)], rv[b], sr[b])
        cl.start()
        cr.start()
        return cl, cr

    def start_out(ci):
        b = ci % 2
        row0 = base + ci * CH
        co = pltpu.make_async_copy(ov[b], out_hbm.at[pl.ds(row0, CH)], so[b])
        co.start()
        return co

    def compute(lhs_v, rel_v, out_v):
        def rowbody(i, c2):
            for g in range(G):
                lo = g * LANES
                hi = RANK + g * LANES
                l0 = lhs_v[i, pl.ds(lo, LANES)]
                l1 = lhs_v[i, pl.ds(hi, LANES)]
                r0 = rel_v[i, pl.ds(lo, LANES)]
                r1 = rel_v[i, pl.ds(hi, LANES)]
                out_v[i, pl.ds(lo, LANES)] = l0 * r0 - l1 * r1
                out_v[i, pl.ds(hi, LANES)] = l0 * r1 + l1 * r0
            return c2

        lax.fori_loop(0, CH, rowbody, 0)

    pend_in = {0: start_in(0)}
    pend_out = {}
    for ci in range(NCH):
        if ci + 1 < NCH:
            pend_in[ci + 1] = start_in(ci + 1)
        cl, cr = pend_in.pop(ci)
        cl.wait()
        cr.wait()
        if ci - 2 in pend_out:
            pend_out.pop(ci - 2).wait()
        compute(lv[ci % 2], rv[ci % 2], ov[ci % 2])
        pend_out[ci] = start_out(ci)
    for co in pend_out.values():
        co.wait()


def _tc_body(lhs_ref, rel_ref, out_ref):
    lhs = lhs_ref[...]
    rel = rel_ref[...]
    r = lhs.shape[-1] // 2
    l0, l1 = lhs[:, :r], lhs[:, r:]
    r0, r1 = rel[:, :r], rel[:, r:]
    out_ref[:, :r] = l0 * r0 - l1 * r1
    out_ref[:, r:] = l0 * r1 + l1 * r0


def _tc_complex(lhs, rel):
    n, d = lhs.shape
    blk = 2048
    off = S // blk
    return pl.pallas_call(
        _tc_body,
        grid=((n - S) // blk,),
        in_specs=[
            pl.BlockSpec((blk, d), lambda i: (i + off, 0)),
            pl.BlockSpec((blk, d), lambda i: (i + off, 0)),
        ],
        out_specs=pl.BlockSpec((blk, d), lambda i: (i + off, 0)),
        out_shape=jax.ShapeDtypeStruct((n, d), lhs.dtype),
    )(lhs, rel)


def kernel(lhs, rel):
    sc_part = _sc_complex(lhs, rel)
    tc_out = _tc_complex(lhs, rel)
    return lax.dynamic_update_slice(tc_out, sc_part, (0, 0))

# --- scband reference (transcript-rebuilt; emitter-appended) ---
"""Pipeline reference for scband-complex-59313498358362 (READ-ONLY COPY).

The authoritative reference and input builder live on the scoring server;
editing this copy changes nothing except your own understanding.
"""

import jax, jax.numpy as jnp
import numpy as np

B = 16384
DIM = 128  # dim_ent_embedding = 2 * rank


def setup_inputs(seed: int = 0) -> dict:
    key = jax.random.key(seed)
    k1, k2 = jax.random.split(key, 2)
    lhs = jax.random.normal(k1, (B, DIM), dtype=jnp.float32)
    rel = jax.random.normal(k2, (B, DIM), dtype=jnp.float32)
    return {"lhs": lhs, "rel": rel}


def reference(lhs, rel):
    # Faithful port of Complex.forward: complex (Hermitian) product of lhs and rel
    # lhs, rel: [B, 2*rank]; chunk into real/imag halves along last dim
    rank = lhs.shape[-1] // 2
    l0, l1 = lhs[:, :rank], lhs[:, rank:]
    r0, r1 = rel[:, :rank], rel[:, rank:]
    real = l0 * r0 - l1 * r1
    imag = l0 * r1 + l1 * r0
    return jnp.concatenate([real, imag], axis=-1)

if __name__ == "__main__":
    import jax
    _d = setup_inputs()
    print(jax.jit(kernel)(*tuple(_d.values())))

</pallas_src>

<mosaic_0001>
#map = affine_map<(d0, d1) -> (0, 0)>
module attributes {stable_mosaic.version = 14 : i64} {
  func.func @_sc_complex(%arg0: i32, %arg1: i32, %arg2: memref<16384x128xf32, #tpu.memory_space<hbm>>, %arg3: memref<16384x128xf32, #tpu.memory_space<hbm>>, %arg4: memref<4096x128xf32, #tpu.memory_space<hbm>>, %arg5: memref<128x128xf32, #tpu.memory_space<vmem>>, %arg6: memref<128x128xf32, #tpu.memory_space<vmem>>, %arg7: memref<128x128xf32, #tpu.memory_space<vmem>>, %arg8: memref<128x128xf32, #tpu.memory_space<vmem>>, %arg9: memref<128x128xf32, #tpu.memory_space<vmem>>, %arg10: memref<128x128xf32, #tpu.memory_space<vmem>>, %arg11: memref<!tpu.dma_semaphore, #tpu.memory_space<semaphore_mem>>, %arg12: memref<!tpu.dma_semaphore, #tpu.memory_space<semaphore_mem>>, %arg13: memref<!tpu.dma_semaphore, #tpu.memory_space<semaphore_mem>>, %arg14: memref<!tpu.dma_semaphore, #tpu.memory_space<semaphore_mem>>, %arg15: memref<!tpu.dma_semaphore, #tpu.memory_space<semaphore_mem>>, %arg16: memref<!tpu.dma_semaphore, #tpu.memory_space<semaphore_mem>>) attributes {dimension_semantics = [#tpu.dimension_semantics<core_parallel>, #tpu.dimension_semantics<subcore_parallel>], iteration_bounds = array<i64: 2, 16>, scalar_prefetch = 0 : i64, scratch_operands = 12 : i64, tpu.core_type = #tpu.core_type<sc_vector_subcore>, window_params = [{transform_indices = #map}, {transform_indices = #map}, {transform_indices = #map}]} {
    %mul3A = arith.constant 2 : i32
    %mul3A_0 = arith.muli %arg1, %mul3A : i32
    %add3A = arith.addi %mul3A_0, %arg0 : i32
    %mul3A_1 = arith.constant 128 : i32
    %mul3A_2 = arith.muli %add3A, %mul3A_1 : i32
    %add3A_3 = arith.constant 0 : i32
    %add3A_4 = arith.addi %mul3A_2, %add3A_3 : i32
    %dma_start3A = arith.constant 0 : i32
    %dma_start3A_5 = tpu.memref_slice %arg2[%add3A_4, %dma_start3A] : memref<16384x128xf32, #tpu.memory_space<hbm>> -> memref<128x128xf32, #tpu.memory_space<hbm>>
    %dma_start3A_6 = arith.constant 0 : i32
    %dma_start3A_7 = tpu.memref_slice %arg2[%add3A_4, %dma_start3A_6] : memref<16384x128xf32, #tpu.memory_space<hbm>> -> memref<128x128xf32, #tpu.memory_space<hbm>>
    tpu.enqueue_dma source(%dma_start3A_7 : memref<128x128xf32, #tpu.memory_space<hbm>>) target(%arg5 : memref<128x128xf32, #tpu.memory_space<vmem>>) target_semaphore(%arg11 : memref<!tpu.dma_semaphore, #tpu.memory_space<semaphore_mem>>)
    %dma_start3A_8 = arith.constant 0 : i32
    %dma_start3A_9 = tpu.memref_slice %arg3[%add3A_4, %dma_start3A_8] : memref<16384x128xf32, #tpu.memory_space<hbm>> -> memref<128x128xf32, #tpu.memory_space<hbm>>
    %dma_start3A_10 = arith.constant 0 : i32
    %dma_start3A_11 = tpu.memref_slice %arg3[%add3A_4, %dma_start3A_10] : memref<16384x128xf32, #tpu.memory_space<hbm>> -> memref<128x128xf32, #tpu.memory_space<hbm>>
    tpu.enqueue_dma source(%dma_start3A_11 : memref<128x128xf32, #tpu.memory_space<hbm>>) target(%arg7 : memref<128x128xf32, #tpu.memory_space<vmem>>) target_semaphore(%arg13 : memref<!tpu.dma_semaphore, #tpu.memory_space<semaphore_mem>>)
    %dma_wait3A = arith.constant 0 : i32
    %dma_wait3A_12 = tpu.memref_slice %arg2[%add3A_4, %dma_wait3A] : memref<16384x128xf32, #tpu.memory_space<hbm>> -> memref<128x128xf32, #tpu.memory_space<hbm>>
    %dma_wait3A_13 = arith.constant 0 : i32
    %dma_wait3A_14 = tpu.memref_slice %arg2[%add3A_4, %dma_wait3A_13] : memref<16384x128xf32, #tpu.memory_space<hbm>> -> memref<128x128xf32, #tpu.memory_space<hbm>>
    tpu.wait_dma2 semaphore(%arg11 : memref<!tpu.dma_semaphore, #tpu.memory_space<semaphore_mem>>) src(%dma_wait3A_14 : memref<128x128xf32, #tpu.memory_space<hbm>>) dst(%arg5 : memref<128x128xf32, #tpu.memory_space<vmem>>)
    %dma_wait3A_15 = arith.constant 0 : i32
    %dma_wait3A_16 = tpu.memref_slice %arg3[%add3A_4, %dma_wait3A_15] : memref<16384x128xf32, #tpu.memory_space<hbm>> -> memref<128x128xf32, #tpu.memory_space<hbm>>
    %dma_wait3A_17 = arith.constant 0 : i32
    %dma_wait3A_18 = tpu.memref_slice %arg3[%add3A_4, %dma_wait3A_17] : memref<16384x128xf32, #tpu.memory_space<hbm>> -> memref<128x128xf32, #tpu.memory_space<hbm>>
    tpu.wait_dma2 semaphore(%arg13 : memref<!tpu.dma_semaphore, #tpu.memory_space<semaphore_mem>>) src(%dma_wait3A_18 : memref<128x128xf32, #tpu.memory_space<hbm>>) dst(%arg7 : memref<128x128xf32, #tpu.memory_space<vmem>>)
    %scan3A = arith.constant 0 : i32
    %scan3A_19 = arith.constant 0 : i32
    %scan3A_20 = arith.constant 128 : i32
    %scan3A_21 = arith.addi %scan3A_19, %scan3A_20 : i32
    %scan3A_22 = arith.constant 1 : i32
    scf.for %scan3A_34 = %scan3A_19 to %scan3A_21 step %scan3A_22  : i32 {
      %get3A = arith.index_cast %scan3A_34 : i32 to index
      %get3A_35 = arith.constant 0 : index
      %get3A_36 = tpu.vector_load %arg5[%get3A, %get3A_35] {strides = array<i32>} : memref<128x128xf32, #tpu.memory_space<vmem>>, vector<1x16xf32>,
      %get3A_37 = vector.shape_cast %get3A_36 : vector<1x16xf32> to vector<16xf32>
      %get3A_38 = arith.index_cast %scan3A_34 : i32 to index
      %get3A_39 = arith.constant 64 : index
      %get3A_40 = tpu.vector_load %arg5[%get3A_38, %get3A_39] {strides = array<i32>} : memref<128x128xf32, #tpu.memory_space<vmem>>, vector<1x16xf32>,
      %get3A_41 = vector.shape_cast %get3A_40 : vector<1x16xf32> to vector<16xf32>
      %get3A_42 = arith.index_cast %scan3A_34 : i32 to index
      %get3A_43 = arith.constant 0 : index
      %get3A_44 = tpu.vector_load %arg7[%get3A_42, %get3A_43] {strides = array<i32>} : memref<128x128xf32, #tpu.memory_space<vmem>>, vector<1x16xf32>,
      %get3A_45 = vector.shape_cast %get3A_44 : vector<1x16xf32> to vector<16xf32>
      %get3A_46 = arith.index_cast %scan3A_34 : i32 to index
      %get3A_47 = arith.constant 64 : index
      %get3A_48 = tpu.vector_load %arg7[%get3A_46, %get3A_47] {strides = array<i32>} : memref<128x128xf32, #tpu.memory_space<vmem>>, vector<1x16xf32>,
      %get3A_49 = vector.shape_cast %get3A_48 : vector<1x16xf32> to vector<16xf32>
      %mul3A_50 = arith.mulf %get3A_37, %get3A_45 : vector<16xf32>
      %mul3A_51 = arith.mulf %get3A_41, %get3A_49 : vector<16xf32>
      %sub3A = arith.subf %mul3A_50, %mul3A_51 : vector<16xf32>
      %swap3A = arith.index_cast %scan3A_34 : i32 to index
      %swap3A_52 = arith.constant 0 : index
      %swap3A_53 = tpu.vector_load %arg9[%swap3A, %swap3A_52] {strides = array<i32>} : memref<128x128xf32, #tpu.memory_space<vmem>>, vector<1x16xf32>,
      %swap3A_54 = vector.shape_cast %swap3A_53 : vector<1x16xf32> to vector<16xf32>
      %swap3A_55 = vector.shape_cast %sub3A : vector<16xf32> to vector<1x16xf32>
      tpu.vector_store %arg9[%swap3A, %swap3A_52], %swap3A_55 {strides = array<i32>} : memref<128x128xf32, #tpu.memory_space<vmem>>, vector<1x16xf32>,
      %mul3A_56 = arith.mulf %get3A_37, %get3A_49 : vector<16xf32>
      %mul3A_57 = arith.mulf %get3A_41, %get3A_45 : vector<16xf32>
      %add3A_58 = arith.addf %mul3A_56, %mul3A_57 : vector<16xf32>
      %swap3A_59 = arith.index_cast %scan3A_34 : i32 to index
      %swap3A_60 = arith.constant 64 : index
      %swap3A_61 = tpu.vector_load %arg9[%swap3A_59, %swap3A_60] {strides = array<i32>} : memref<128x128xf32, #tpu.memory_space<vmem>>, vector<1x16xf32>,
      %swap3A_62 = vector.shape_cast %swap3A_61 : vector<1x16xf32> to vector<16xf32>
      %swap3A_63 = vector.shape_cast %add3A_58 : vector<16xf32> to vector<1x16xf32>
      tpu.vector_store %arg9[%swap3A_59, %swap3A_60], %swap3A_63 {strides = array<i32>} : memref<128x128xf32, #tpu.memory_space<vmem>>, vector<1x16xf32>,
      %get3A_64 = arith.index_cast %scan3A_34 : i32 to index
      %get3A_65 = arith.constant 16 : index
      %get3A_66 = tpu.vector_load %arg5[%get3A_64, %get3A_65] {strides = array<i32>} : memref<128x128xf32, #tpu.memory_space<vmem>>, vector<1x16xf32>,
      %get3A_67 = vector.shape_cast %get3A_66 : vector<1x16xf32> to vector<16xf32>
      %get3A_68 = arith.index_cast %scan3A_34 : i32 to index
      %get3A_69 = arith.constant 80 : index
      %get3A_70 = tpu.vector_load %arg5[%get3A_68, %get3A_69] {strides = array<i32>} : memref<128x128xf32, #tpu.memory_space<vmem>>, vector<1x16xf32>,
      %get3A_71 = vector.shape_cast %get3A_70 : vector<1x16xf32> to vector<16xf32>
      %get3A_72 = arith.index_cast %scan3A_34 : i32 to index
      %get3A_73 = arith.constant 16 : index
      %get3A_74 = tpu.vector_load %arg7[%get3A_72, %get3A_73] {strides = array<i32>} : memref<128x128xf32, #tpu.memory_space<vmem>>, vector<1x16xf32>,
      %get3A_75 = vector.shape_cast %get3A_74 : vector<1x16xf32> to vector<16xf32>
      %get3A_76 = arith.index_cast %scan3A_34 : i32 to index
      %get3A_77 = arith.constant 80 : index
      %get3A_78 = tpu.vector_load %arg7[%get3A_76, %get3A_77] {strides = array<i32>} : memref<128x128xf32, #tpu.memory_space<vmem>>, vector<1x16xf32>,
      %get3A_79 = vector.shape_cast %get3A_78 : vector<1x16xf32> to vector<16xf32>
      %mul3A_80 = arith.mulf %get3A_67, %get3A_75 : vector<16xf32>
      %mul3A_81 = arith.mulf %get3A_71, %get3A_79 : vector<16xf32>
      %sub3A_82 = arith.subf %mul3A_80, %mul3A_81 : vector<16xf32>
      %swap3A_83 = arith.index_cast %scan3A_34 : i32 to index
      %swap3A_84 = arith.constant 16 : index
      %swap3A_85 = tpu.vector_load %arg9[%swap3A_83, %swap3A_84] {strides = array<i32>} : memref<128x128xf32, #tpu.memory_space<vmem>>, vector<1x16xf32>,
      %swap3A_86 = vector.shape_cast %swap3A_85 : vector<1x16xf32> to vector<16xf32>
      %swap3A_87 = vector.shape_cast %sub3A_82 : vector<16xf32> to vector<1x16xf32>
      tpu.vector_store %arg9[%swap3A_83, %swap3A_84], %swap3A_87 {strides = array<i32>} : memref<128x128xf32, #tpu.memory_space<vmem>>, vector<1x16xf32>,
      %mul3A_88 = arith.mulf %get3A_67, %get3A_79 : vector<16xf32>
      %mul3A_89 = arith.mulf %get3A_71, %get3A_75 : vector<16xf32>
      %add3A_90 = arith.addf %mul3A_88, %mul3A_89 : vector<16xf32>
      %swap3A_91 = arith.index_cast %scan3A_34 : i32 to index
      %swap3A_92 = arith.constant 80 : index
      %swap3A_93 = tpu.vector_load %arg9[%swap3A_91, %swap3A_92] {strides = array<i32>} : memref<128x128xf32, #tpu.memory_space<vmem>>, vector<1x16xf32>,
      %swap3A_94 = vector.shape_cast %swap3A_93 : vector<1x16xf32> to vector<16xf32>
      %swap3A_95 = vector.shape_cast %add3A_90 : vector<16xf32> to vector<1x16xf32>
      tpu.vector_store %arg9[%swap3A_91, %swap3A_92], %swap3A_95 {strides = array<i32>} : memref<128x128xf32, #tpu.memory_space<vmem>>, vector<1x16xf32>,
      %get3A_96 = arith.index_cast %scan3A_34 : i32 to index
      %get3A_97 = arith.constant 32 : index
      %get3A_98 = tpu.vector_load %arg5[%get3A_96, %get3A_97] {strides = array<i32>} : memref<128x128xf32, #tpu.memory_space<vmem>>, vector<1x16xf32>,
      %get3A_99 = vector.shape_cast %get3A_98 : vector<1x16xf32> to vector<16xf32>
      %get3A_100 = arith.index_cast %scan3A_34 : i32 to index
      %get3A_101 = arith.constant 96 : index
      %get3A_102 = tpu.vector_load %arg5[%get3A_100, %get3A_101] {strides = array<i32>} : memref<128x128xf32, #tpu.memory_space<vmem>>, vector<1x16xf32>,
      %get3A_103 = vector.shape_cast %get3A_102 : vector<1x16xf32> to vector<16xf32>
      %get3A_104 = arith.index_cast %scan3A_34 : i32 to index
      %get3A_105 = arith.constant 32 : index
      %get3A_106 = tpu.vector_load %arg7[%get3A_104, %get3A_105] {strides = array<i32>} : memref<128x128xf32, #tpu.memory_space<vmem>>, vector<1x16xf32>,
      %get3A_107 = vector.shape_cast %get3A_106 : vector<1x16xf32> to vector<16xf32>
      %get3A_108 = arith.index_cast %scan3A_34 : i32 to index
      %get3A_109 = arith.constant 96 : index
      %get3A_110 = tpu.vector_load %arg7[%get3A_108, %get3A_109] {strides = array<i32>} : memref<128x128xf32, #tpu.memory_space<vmem>>, vector<1x16xf32>,
      %get3A_111 = vector.shape_cast %get3A_110 : vector<1x16xf32> to vector<16xf32>
      %mul3A_112 = arith.mulf %get3A_99, %get3A_107 : vector<16xf32>
      %mul3A_113 = arith.mulf %get3A_103, %get3A_111 : vector<16xf32>
      %sub3A_114 = arith.subf %mul3A_112, %mul3A_113 : vector<16xf32>
      %swap3A_115 = arith.index_cast %scan3A_34 : i32 to index
      %swap3A_116 = arith.constant 32 : index
      %swap3A_117 = tpu.vector_load %arg9[%swap3A_115, %swap3A_116] {strides = array<i32>} : memref<128x128xf32, #tpu.memory_space<vmem>>, vector<1x16xf32>,
      %swap3A_118 = vector.shape_cast %swap3A_117 : vector<1x16xf32> to vector<16xf32>
      %swap3A_119 = vector.shape_cast %sub3A_114 : vector<16xf32> to vector<1x16xf32>
      tpu.vector_store %arg9[%swap3A_115, %swap3A_116], %swap3A_119 {strides = array<i32>} : memref<128x128xf32, #tpu.memory_space<vmem>>, vector<1x16xf32>,
      %mul3A_120 = arith.mulf %get3A_99, %get3A_111 : vector<16xf32>
      %mul3A_121 = arith.mulf %get3A_103, %get3A_107 : vector<16xf32>
      %add3A_122 = arith.addf %mul3A_120, %mul3A_121 : vector<16xf32>
      %swap3A_123 = arith.index_cast %scan3A_34 : i32 to index
      %swap3A_124 = arith.constant 96 : index
      %swap3A_125 = tpu.vector_load %arg9[%swap3A_123, %swap3A_124] {strides = array<i32>} : memref<128x128xf32, #tpu.memory_space<vmem>>, vector<1x16xf32>,
      %swap3A_126 = vector.shape_cast %swap3A_125 : vector<1x16xf32> to vector<16xf32>
      %swap3A_127 = vector.shape_cast %add3A_122 : vector<16xf32> to vector<1x16xf32>
      tpu.vector_store %arg9[%swap3A_123, %swap3A_124], %swap3A_127 {strides = array<i32>} : memref<128x128xf32, #tpu.memory_space<vmem>>, vector<1x16xf32>,
      %get3A_128 = arith.index_cast %scan3A_34 : i32 to index
      %get3A_129 = arith.constant 48 : index
      %get3A_130 = tpu.vector_load %arg5[%get3A_128, %get3A_129] {strides = array<i32>} : memref<128x128xf32, #tpu.memory_space<vmem>>, vector<1x16xf32>,
      %get3A_131 = vector.shape_cast %get3A_130 : vector<1x16xf32> to vector<16xf32>
      %get3A_132 = arith.index_cast %scan3A_34 : i32 to index
      %get3A_133 = arith.constant 112 : index
      %get3A_134 = tpu.vector_load %arg5[%get3A_132, %get3A_133] {strides = array<i32>} : memref<128x128xf32, #tpu.memory_space<vmem>>, vector<1x16xf32>,
      %get3A_135 = vector.shape_cast %get3A_134 : vector<1x16xf32> to vector<16xf32>
      %get3A_136 = arith.index_cast %scan3A_34 : i32 to index
      %get3A_137 = arith.constant 48 : index
      %get3A_138 = tpu.vector_load %arg7[%get3A_136, %get3A_137] {strides = array<i32>} : memref<128x128xf32, #tpu.memory_space<vmem>>, vector<1x16xf32>,
      %get3A_139 = vector.shape_cast %get3A_138 : vector<1x16xf32> to vector<16xf32>
      %get3A_140 = arith.index_cast %scan3A_34 : i32 to index
      %get3A_141 = arith.constant 112 : index
      %get3A_142 = tpu.vector_load %arg7[%get3A_140, %get3A_141] {strides = array<i32>} : memref<128x128xf32, #tpu.memory_space<vmem>>, vector<1x16xf32>,
      %get3A_143 = vector.shape_cast %get3A_142 : vector<1x16xf32> to vector<16xf32>
      %mul3A_144 = arith.mulf %get3A_131, %get3A_139 : vector<16xf32>
      %mul3A_145 = arith.mulf %get3A_135, %get3A_143 : vector<16xf32>
      %sub3A_146 = arith.subf %mul3A_144, %mul3A_145 : vector<16xf32>
      %swap3A_147 = arith.index_cast %scan3A_34 : i32 to index
      %swap3A_148 = arith.constant 48 : index
      %swap3A_149 = tpu.vector_load %arg9[%swap3A_147, %swap3A_148] {strides = array<i32>} : memref<128x128xf32, #tpu.memory_space<vmem>>, vector<1x16xf32>,
      %swap3A_150 = vector.shape_cast %swap3A_149 : vector<1x16xf32> to vector<16xf32>
      %swap3A_151 = vector.shape_cast %sub3A_146 : vector<16xf32> to vector<1x16xf32>
      tpu.vector_store %arg9[%swap3A_147, %swap3A_148], %swap3A_151 {strides = array<i32>} : memref<128x128xf32, #tpu.memory_space<vmem>>, vector<1x16xf32>,
      %mul3A_152 = arith.mulf %get3A_131, %get3A_143 : vector<16xf32>
      %mul3A_153 = arith.mulf %get3A_135, %get3A_139 : vector<16xf32>
      %add3A_154 = arith.addf %mul3A_152, %mul3A_153 : vector<16xf32>
      %swap3A_155 = arith.index_cast %scan3A_34 : i32 to index
      %swap3A_156 = arith.constant 112 : index
      %swap3A_157 = tpu.vector_load %arg9[%swap3A_155, %swap3A_156] {strides = array<i32>} : memref<128x128xf32, #tpu.memory_space<vmem>>, vector<1x16xf32>,
      %swap3A_158 = vector.shape_cast %swap3A_157 : vector<1x16xf32> to vector<16xf32>
      %swap3A_159 = vector.shape_cast %add3A_154 : vector<16xf32> to vector<1x16xf32>
      tpu.vector_store %arg9[%swap3A_155, %swap3A_156], %swap3A_159 {strides = array<i32>} : memref<128x128xf32, #tpu.memory_space<vmem>>, vector<1x16xf32>,
    }
    %scan3A_23 = arith.constant 128 : i32
    %add3A_24 = arith.constant 0 : i32
    %add3A_25 = arith.addi %mul3A_2, %add3A_24 : i32
    %dma_start3A_26 = arith.constant 0 : i32
    %dma_start3A_27 = tpu.memref_slice %arg4[%add3A_25, %dma_start3A_26] : memref<4096x128xf32, #tpu.memory_space<hbm>> -> memref<128x128xf32, #tpu.memory_space<hbm>>
    %dma_start3A_28 = arith.constant 0 : i32
    %dma_start3A_29 = tpu.memref_slice %arg4[%add3A_25, %dma_start3A_28] : memref<4096x128xf32, #tpu.memory_space<hbm>> -> memref<128x128xf32, #tpu.memory_space<hbm>>
    tpu.enqueue_dma source(%arg9 : memref<128x128xf32, #tpu.memory_space<vmem>>) target(%dma_start3A_29 : memref<128x128xf32, #tpu.memory_space<hbm>>) target_semaphore(%arg15 : memref<!tpu.dma_semaphore, #tpu.memory_space<semaphore_mem>>)
    %dma_wait3A_30 = arith.constant 0 : i32
    %dma_wait3A_31 = tpu.memref_slice %arg4[%add3A_25, %dma_wait3A_30] : memref<4096x128xf32, #tpu.memory_space<hbm>> -> memref<128x128xf32, #tpu.memory_space<hbm>>
    %dma_wait3A_32 = arith.constant 0 : i32
    %dma_wait3A_33 = tpu.memref_slice %arg4[%add3A_25, %dma_wait3A_32] : memref<4096x128xf32, #tpu.memory_space<hbm>> -> memref<128x128xf32, #tpu.memory_space<hbm>>
    tpu.wait_dma2 semaphore(%arg15 : memref<!tpu.dma_semaphore, #tpu.memory_space<semaphore_mem>>) src(%arg9 : memref<128x128xf32, #tpu.memory_space<vmem>>) dst(%dma_wait3A_33 : memref<128x128xf32, #tpu.memory_space<hbm>>)
    return
  }
}

module attributes {stable_mosaic.version = 14 : i64} {
  func.func @_tc_body(%arg0: i32, %arg1: memref<2048x128xf32, #tpu.memory_space<vmem>>, %arg2: memref<2048x128xf32, #tpu.memory_space<vmem>>, %arg3: memref<2048x128xf32, #tpu.memory_space<vmem>>) attributes {dimension_semantics = [#tpu.dimension_semantics<arbitrary>], iteration_bounds = array<i64: 6>, scalar_prefetch = 0 : i64, scratch_operands = 0 : i64, tpu.core_type = #tpu.core_type<tc>, window_params = [{transform_indices = @transform_0, window_bounds = array<i64: 2048, 128>}, {transform_indices = @transform_1, window_bounds = array<i64: 2048, 128>}, {transform_indices = @transform_2, window_bounds = array<i64: 2048, 128>}]} {
    %get3A = arith.constant 0 : index
    %get3A_0 = arith.constant 0 : index
    %get3A_1 = vector.load %arg1[%get3A, %get3A_0] : memref<2048x128xf32, #tpu.memory_space<vmem>>, vector<2048x128xf32>
    %get3A_2 = arith.constant 0 : index
    %get3A_3 = arith.constant 0 : index
    %get3A_4 = vector.load %arg2[%get3A_2, %get3A_3] : memref<2048x128xf32, #tpu.memory_space<vmem>>, vector<2048x128xf32>
    %slice3A = vector.extract_strided_slice %get3A_1 {offsets = [0, 0], sizes = [2048, 64], strides = [1, 1]} : vector<2048x128xf32> to vector<2048x64xf32>
    %slice3A_5 = vector.extract_strided_slice %get3A_1 {offsets = [0, 64], sizes = [2048, 64], strides = [1, 1]} : vector<2048x128xf32> to vector<2048x64xf32>
    %slice3A_6 = vector.extract_strided_slice %get3A_4 {offsets = [0, 0], sizes = [2048, 64], strides = [1, 1]} : vector<2048x128xf32> to vector<2048x64xf32>
    %slice3A_7 = vector.extract_strided_slice %get3A_4 {offsets = [0, 64], sizes = [2048, 64], strides = [1, 1]} : vector<2048x128xf32> to vector<2048x64xf32>
    %mul3A = arith.mulf %slice3A, %slice3A_6 : vector<2048x64xf32>
    %mul3A_8 = arith.mulf %slice3A_5, %slice3A_7 : vector<2048x64xf32>
    %sub3A = arith.subf %mul3A, %mul3A_8 : vector<2048x64xf32>
    %swap3A = arith.constant 0 : index
    %swap3A_9 = arith.constant 0 : index
    %swap3A_10 = vector.load %arg3[%swap3A, %swap3A_9] : memref<2048x128xf32, #tpu.memory_space<vmem>>, vector<2048x64xf32>
    tpu.vector_store %arg3[%swap3A, %swap3A_9], %sub3A {strides = array<i32>} : memref<2048x128xf32, #tpu.memory_space<vmem>>, vector<2048x64xf32>,
    %mul3A_11 = arith.mulf %slice3A, %slice3A_7 : vector<2048x64xf32>
    %mul3A_12 = arith.mulf %slice3A_5, %slice3A_6 : vector<2048x64xf32>
    %add3A = arith.addf %mul3A_11, %mul3A_12 : vector<2048x64xf32>
    %swap3A_13 = arith.constant 0 : index
    %swap3A_14 = arith.constant 64 : index
    %swap3A_15 = vector.load %arg3[%swap3A_13, %swap3A_14] : memref<2048x128xf32, #tpu.memory_space<vmem>>, vector<2048x64xf32>
    tpu.vector_store %arg3[%swap3A_13, %swap3A_14], %add3A {strides = array<i32>} : memref<2048x128xf32, #tpu.memory_space<vmem>>, vector<2048x64xf32>,
    return
  }
  func.func @transform_0(%arg0: i32) -> (i32, i32) {
    %add3A = arith.constant 2 : i32
    %add3A_0 = arith.addi %arg0, %add3A : i32
    %c0_i32 = arith.constant 0 : i32
    %c0_i32_1 = arith.constant 0 : i32
    return %add3A_0, %c0_i32 : i32, i32
  }
  func.func @transform_1(%arg0: i32) -> (i32, i32) {
    %add3A = arith.constant 2 : i32
    %add3A_0 = arith.addi %arg0, %add3A : i32
    %c0_i32 = arith.constant 0 : i32
    %c0_i32_1 = arith.constant 0 : i32
    return %add3A_0, %c0_i32 : i32, i32
  }
  func.func @transform_2(%arg0: i32) -> (i32, i32) {
    %add3A = arith.constant 2 : i32
    %add3A_0 = arith.addi %arg0, %add3A : i32
    %c0_i32 = arith.constant 0 : i32
    %c0_i32_1 = arith.constant 0 : i32
    return %add3A_0, %c0_i32 : i32, i32
  }
}

</mosaic_0001>

<sc_bundles>
// kernel: kernel.4.cloned.1.call-start
scs
__scs_entry_jumppad:
0x0: {  	(pc) =	sbr.rel $0x88, $3  }
0x1: {  	(tag) =	ssettag $0x0;
	lr =	simm.s32 $0x1  }
0x2: {  	[smem:$0x3F9F] =	sst lr;
	_ =	strace $0xD0000000  }
0x3: {  	_ = 	snop  }
0x4: {  	_ = 	snop  }
0x5: {  	_ = 	snop  }
0x6: {  	_ = 	snop  }
0x7: {  	_ = 	snop  }
__scs_overlays_trampoline_lowered:
0x8: {  	[smem:$0x3FAE] =	sst s0  }
0x9: {  	[smem:$0x3FAF] =	sst s1  }
0xa: {  	[smem:$0x3FB0] =	sst s2  }
0xb: {  	[smem:$0x3FB1] =	sst s3  }
0xc: {  	[smem:$0x3FB2] =	sst s4  }
0xd: {  	[smem:$0x3FB3] =	sst s5  }
0xe: {  	[smem:$0x3FB4] =	sst s6  }
0xf: {  	[smem:$0x3FB5] =	sst s7  }
0x10: {  	[smem:$0x3FB6] =	sst s8  }
0x11: {  	[smem:$0x3FB7] =	sst s9;
	s0 =	simm.s32 @!p0 $0x0  }
0x12: {  	s1 =	sld [smem:$0x3F9D];
	s0 =	simm.s32 @p0 $0x1  }
0x13: {  	[smem:$0x3FB8] =	sst s0;
	s0 =	simm.s32 @!p1 $0x0  }
0x14: {  	s2 =	sld [smem:$0x3F9C];
	s0 =	simm.s32 @p1 $0x1  }
0x15: {  	[smem:$0x3FB9] =	sst s0;
	s0 =	simm.s32 @!p2 $0x0  }
0x16: {  	s3 =	sld [smem:$0x3FDB];
	s0 =	simm.s32 @p2 $0x1  }
0x17: {  	s4 =	simm.s32 $0x1BF5;
	[smem:$0x3FBB] =	sst s0  }
0x18: {  	s0 =	sld [smem:$0x3F9E];
	_ =	swait.ge [sflag:s4], $0x0  }
0x19: {  	s7 =	sld [smem:$0x3F9F]  }
0x1a: {  	s8 =	sadd.s32 $0xFFFFE003, lr  }
0x1b: {  	s9 =	sadd.s32 $0xFFFFFEF7, lr;
	s5 =	simm.s32 $0xFFFFFFFF;
	p2 =	slt.u32 s8, $0xFFFFF086  }
0x1c: {  	p1 =	slt.u32 s9, $0xF7A;
	s5 =	simm.s32 @!p2 $0x0  }
0x1d: {  	s5 =	simm.s32 @p1 $0x1;
	p0 =	seq.s32 s7, s2  }
0x1e: {  	s7 =	smul.u32 @!p0 $0xF7A, s2;
	p2 =	seq.s32 @!p0 s5, $0x0  }
0x1f: {  	s9 =	smul.u32 $0xF7A, s1;
	s8 =	simm.s32 @!p0 $0x1BF5;
	p2 =	por !p2, p0  }
0x20: {  	[sflag:s8] =	ssyncset.s32 @!p0 $0xFFFFF086;
	s6 =	sadd.s32 @!p0 s3, s7;
	s7 =	simm.s32 @!p0 $0x108  }
0x21: {  	s3 =	sadd.s32 s3, s9;
	s6 =	sadd.s32 @!p0 $0x88, s6;
	s7 =	simm.s32 @p2 $0x1082  }
0x22: {  	[simem:s7], [sflag:s8] =	dma.local @!p0 [hbm:s6], $0xF7A  }
0x23: {  	s9 =	sor.u32 $0xD0000000, s2;
	s6 =	simm.s32 $0x108;
	_ =	swait.ge @!p0 [sflag:s8], $0x0  }
0x24: {  	s3 =	sadd.s32 $0x88, s3;
	s6 =	simm.s32 @!p1 $0x1082;
	[sflag:s4] =	ssyncset.s32 $0xFFFFF086  }
0x25: {  	[simem:s6], [sflag:s4] =	dma.local [hbm:s3], $0xF7A  }
0x26: {  	[smem:$0x3F9F] =	sst s1;
	(tag) =	ssettag s2;
	_ =	strace s9  }
0x27: {  	s1 =	sld [smem:$0x3FAF]  }
0x28: {  	s2 =	sld [smem:$0x3FB0]  }
0x29: {  	s4 =	sld [smem:$0x3FB2]  }
0x2a: {  	p0 =	seq.s32 s5, $0x0;
	s5 =	sld [smem:$0x3FB3]  }
0x2b: {  	s6 =	sld [smem:$0x3FB4]  }
0x2c: {  	s7 =	sld [smem:$0x3FB5]  }
0x2d: {  	s3 =	simm.s32 $0x108;
	s8 =	sld [smem:$0x3FB6]  }
0x2e: {  	s3 =	simm.s32 @!p0 $0x1082;
	s9 =	sld [smem:$0x3FB7]  }
0x2f: {  	lr =	sadd.s32 s0, s3;
	s0 =	sld [smem:$0x3FAE]  }
0x30: {  	s3 =	sld [smem:$0x3FB1]  }
0x31: {  	[smem:$0x3FBA] =	sst s10  }
0x32: {  	s10 =	sld [smem:$0x3FB8];
	_ =	sdelay $0x3  }
0x33: {  	p0 =	seq.s32 s10, $0x1;
	s10 =	sld [smem:$0x3FBA];
	_ =	sdelay $0x3  }
0x34: {  	[smem:$0x3FBA] =	sst s10  }
0x35: {  	s10 =	sld [smem:$0x3FB9];
	_ =	sdelay $0x3  }
0x36: {  	p1 =	seq.s32 s10, $0x1;
	s10 =	sld [smem:$0x3FBA];
	_ =	sdelay $0x3  }
0x37: {  	[smem:$0x3FBA] =	sst s10  }
0x38: {  	s10 =	sld [smem:$0x3FBB]  }
0x39: {  	_ = 	snop;
	(pc) =	sbr.ind lr, $3  }
0x3a: {  	_ = 	snop  }
0x3b: {  	_ = 	snop  }
0x3c: {  	p2 =	seq.s32 s10, $0x1;
	s10 =	sld [smem:$0x3FBA]  }
0x3d: {  	_ =	shalt  }
0x3e: {  	_ =	shalt  }
0x3f: {  	_ =	shalt  }
0x40: {  	_ =	shalt  }
0x41: {  	_ =	shalt  }
0x42: {  	_ =	shalt  }
0x43: {  	_ =	shalt  }
0x44: {  	_ =	shalt  }
0x45: {  	_ =	shalt  }
0x46: {  	_ =	shalt  }
0x47: {  	_ =	shalt  }
0x48: {  	_ =	shalt  }
0x49: {  	_ =	shalt  }
0x4a: {  	_ =	shalt  }
0x4b: {  	_ =	shalt  }
0x4c: {  	_ =	shalt  }
0x4d: {  	_ =	shalt  }
0x4e: {  	_ =	shalt  }
0x4f: {  	_ =	shalt  }
0x50: {  	_ =	shalt  }
0x51: {  	_ =	shalt  }
0x52: {  	_ =	shalt  }
0x53: {  	_ =	shalt  }
0x54: {  	_ =	shalt  }
0x55: {  	_ =	shalt  }
0x56: {  	_ =	shalt  }
0x57: {  	_ =	shalt  }
0x58: {  	_ =	shalt  }
0x59: {  	_ =	shalt  }
0x5a: {  	_ =	shalt  }
0x5b: {  	_ =	shalt  }
0x5c: {  	_ =	shalt  }
0x5d: {  	_ =	shalt  }
0x5e: {  	_ =	shalt  }
0x5f: {  	_ =	shalt  }
0x60: {  	_ =	shalt  }
0x61: {  	_ =	shalt  }
0x62: {  	_ =	shalt  }
0x63: {  	_ =	shalt  }
0x64: {  	_ =	shalt  }
0x65: {  	_ =	shalt  }
0x66: {  	_ =	shalt  }
0x67: {  	_ =	shalt  }
0x68: {  	_ =	shalt  }
0x69: {  	_ =	shalt  }
0x6a: {  	_ =	shalt  }
0x6b: {  	_ =	shalt  }
0x6c: {  	_ =	shalt  }
0x6d: {  	_ =	shalt  }
0x6e: {  	_ =	shalt  }
0x6f: {  	_ =	shalt  }
0x70: {  	_ =	shalt  }
0x71: {  	_ =	shalt  }
0x72: {  	_ =	shalt  }
0x73: {  	_ =	shalt  }
0x74: {  	_ =	shalt  }
0x75: {  	_ =	shalt  }
0x76: {  	_ =	shalt  }
0x77: {  	_ =	shalt  }
0x78: {  	_ =	shalt  }
0x79: {  	_ =	shalt  }
0x7a: {  	_ =	shalt  }
0x7b: {  	_ =	shalt  }
0x7c: {  	_ =	shalt  }
0x7d: {  	_ =	shalt  }
0x7e: {  	_ =	shalt  }
0x7f: {  	_ =	shalt  }
0x80: {  	_ =	shalt  }
0x81: {  	_ =	shalt  }
0x82: {  	_ =	shalt  }
0x83: {  	_ =	shalt  }
0x84: {  	_ =	shalt  }
0x85: {  	_ =	shalt  }
0x86: {  	_ =	shalt  }
0x87: {  	_ =	shalt  }
.Lfunc_end0:
.L_simem_size_0:
called_computation_lowered:
.L_overlay_start_0:
0x88: {  	s2 =	sld [smem:$0x3FD9]  }
0x89: {  	s3 =	sld [smem:$0x3FFE];
	_ =	sdelay $0x1  }
0x8a: {  	s1 =	srdreg.scid  }
0x8b: {  	s0 =	sand.u32 $0x1, s1  }
0x8c: {  	s17 =	sshll.u32 s0, $0xA;
	s2 =	sadd.s32 s3, s2  }
0x8d: {  	s2 =	sadd.s32 s2, s17  }
0x8e: {  	[smem:$0x3FC6] =	sst s2  }
0x8f: {  	_ = 	snop  }
0x90: {  	s2 =	sld [smem:$0x3FC9]  }
0x91: {  	s18 =	sld [smem:$0x3FC8];
	(tm) =	ssettm $0x1  }
0x92: {  	s4 =	sld [smem:$0x3FFB];
	_ =	sdelay $0x3  }
0x93: {  	_ =	strace s4  }
0x94: {  	s4 =	sld [smem:$0x3FFC];
	_ =	sdelay $0x3  }
0x95: {  	_ =	strace s4  }
0x96: {  	s4 =	sld [smem:$0x3FFD];
	_ =	sdelay $0x3  }
0x97: {  	_ =	strace s4  }
0x98: {  	_ =	strace $0x8FFFFFFF  }
0x99: {  	s19 =	sld [smem:$0x3FDB];
	_ =	sdelay $0x1  }
0x9a: {  	s5 =	simm.s32 $_scs_section_size  }
0x9b: {  	s6 =	simm.s32 $_size__tile_overlayer_lowered;
	s7 =	simm.s32 $_tile_overlayer_lowered  }
0x9c: {  	s22 =	simm.s32 $0x1BFF;
	s21 =	sshll.u32 s7, $0x1;
	s4 =	sadd.s32 s5, s19  }
0x9d: {  	s8 =	simm.s32 $0x0;
	s20 =	sshll.u32 s6, $0x1;
	s6 =	sadd.s32 s21, s4  }
0x9e: {  	[timem:s8], [sflag:s22] =	dma.local [hbm:s6], s20  }
0x9f: {  	_ =	swait.ge [sflag:s22], s20  }
0xa0: {  	s5 =	ssub.s32 $0x0, s20;
	[sflag:s22] =	ssyncset.done $0x0  }
0xa1: {  	[sflag:s22] =	ssyncadd.s32 s5;
	_ =	sdelay $0x1  }
0xa2: {  	s23 =	simm.s32 $0x1B8B  }
0xa3: {  	_ =	swait.ge [sflag:s23], $0x1  }
0xa4: {  	[sflag:s23] =	ssyncset.done $0x0  }
0xa5: {  	s25 =	simm.s32 $0x1B8E;
	s24 =	sld [smem:$0x3FFE];
	[sflag:s23] =	ssyncadd.s32 $0xFFFFFFFF  }
0xa6: {  	s26 =	simm.s32 $execute0_lowered;
	[smem:$0x3FD2] =	sst s25  }
0xa7: {  	s6 =	sshll.u32 s26, $0x1;
	_ =	strace $0x80000046;
	[dreg:$0x1] =	wrdreg $0xFFFFFFFF  }
0xa8: {  	s28 =	simm.s32 $_size_execute0_lowered;
	s4 =	sadd.s32 s4, s6;
	[dreg:$0x0] =	wrdreg $0x0  }
0xa9: {  	s6 =	sshll.u32 s28, $0x1;
	[dreg:$0x2] =	wrdreg s4  }
0xaa: {  	[dreg:$0x3] =	wrdreg s6  }
0xab: {  	[dreg:$0x4] =	wrdreg $0xC0  }
0xac: {  	_ =	task [dreg:s8], $0x5FFFF  }
0xad: {  	[dreg:$0x1] =	wrdreg $0xFFFFFFFF  }
0xae: {  	[dreg:$0x0] =	wrdreg $0x60  }
0xaf: {  	[dreg:$0x2] =	wrdreg s2  }
0xb0: {  	[dreg:$0x3] =	wrdreg s18  }
0xb1: {  	[dreg:$0x4] =	wrdreg s24  }
0xb2: {  	[dreg:$0x5] =	wrdreg $0x9  }
0xb3: {  	_ =	task.clear_ibuf [dreg:s8], $0x6FFFF;
	_ =	strace $0x90000046  }
0xb4: {  	s29 =	simm.s32 $0x9;
	_ =	strace $0x80000048  }
0xb5: {  	_ =	swait.ge [sflag:s29], $0x1  }
0xb6: {  	[sflag:s29] =	ssyncadd.s32 $0xFFFFFFFF  }
0xb7: {  	_ =	strace $0x90000048  }
0xb8: {  	_ =	sfence  }
0xb9: {  	s30 =	sld [smem:$0x0];
	_ =	sdelay $0x2  }
0xba: {  	s31 =	sshll.u32 s1, $0xD;
	s1 =	sshrl.u32 s1, $0x2  }
0xbb: {  	s3 =	sand.u32 $0x4000, s31;
	s1 =	sadd.s32 s1, s30  }
0xbc: {  	s0 =	sor.u32 s3, s0;
	s1 =	sshll.u32 s1, $0x11  }
0xbd: {  	s0 =	sor.u32 s1, s0  }
0xbe: {  	s0 =	sadd.s32 $0x8F2B, s0  }
0xbf: {  	[sflag:s0] =	ssyncadd.remote.s32 $0x1  }
0xc0: {  	_ =	sfence.sel $0xFFFF  }
0xc1: {  	[dreg:$0x0] =	wrdreg $0xFFFFFFFF;
	(pc) =	sbr.abs _section_cstart, $3  }
0xc2: {  	[dreg:$0x1] =	wrdreg $0xFFFFFFFF  }
0xc3: {  	_ =	task.clear_ibuf [dreg:s8], $0x2FFFF;
	_ =	strace $0x9FFFFFFF  }
0xc4: {  	(tm) =	ssettm $0x7FFFFFFF  }
0xc5: {  	_ =	shalt  }
tec
execute0_lowered:
.L_overlay_start_1:
0x0: {  	(tag) =	ssettag $0x1  }
0x1: {  	s3 =	rddreg [dreg:$0x0]  }
0x2: {  	s4 =	rddreg [dreg:$0x1]  }
0x3: {  	s5 =	rddreg [dreg:$0x2]  }
0x4: {  	s0 =	rddreg [dreg:$0x3];
	s2 =	simm.s32 $0x0;
	s6 =	srdreg.scid  }
0x5: {  	s1 =	stileid.u32;
	s9 =	simm.s32 $0x2;
	s10 =	simm.s32 $0x8000  }
0x6: {  	s11 =	simm.s32 $0x3;
	s12 =	simm.s32 $0x0;
	s6 =	sand.u32 $0x1, s6  }
0x7: {  	[smem:$0x7FF] =	sst s2;
	s7 =	sshll.u32 s1, $0xC;
	s8 =	sshll.u32 s6, $0xB  }
0x8: {  	s6 =	ssub.s32 $0x2, s6;
	_ =	strace $0x80000047;
	s7 =	sor.u32 s8, s7  }
0x9: {  	s31 =	sshrl.u32 s6, $0x1;
	s8 =	simm.s32 $0x1;
	s5 =	sadd.s32 s7, s5  }
0xa: {  	s6 =	ssub.s32 s6, s31;
	s3 =	sadd.s32 s3, s7;
	s4 =	sadd.s32 s4, s7  }
0xb: {  	s7 =	simm.s32 $0x4000;
	s5 =	sadd.s32 $0x800, s5;
	s6 =	smax.u32 s6, $0x1  }
.LBB2_1:
0xc: {  	[tilespmem:s2], [sflag:$0x1] =	stream.linear.gather [hbm4b:s3+s2], $0x4000, $0x38;
	[tilespmem:$0xC000] =	vst v63  }
0xd: {  	_ = 	snop  }
0xe: {  	[tilespmem:s7], [sflag:$0x2] =	stream.linear.gather [hbm4b:s4+s2], $0x4000, $0x38;
	[tilespmem:$0xC000] =	vst v63  }
0xf: {  	_ =	swait.ge [sflag:s8], $0x4000  }
0x10: {  	[sflag:s8] =	ssyncset.done $0x0  }
0x11: {  	[sflag:s8] =	ssyncadd.s32 $0xFFFFC000  }
0x12: {  	_ =	swait.ge [sflag:s9], $0x4000  }
0x13: {  	[sflag:s9] =	ssyncset.done $0x0  }
0x14: {  	s13 =	simm.s32 $0x0;
	[sflag:s9] =	ssyncadd.s32 $0xFFFFC000  }
0x15: {  	v0 =	vld [tilespmem:s13+$0x30]  }
0x16: {  	v1 =	vld [tilespmem:s13+$0x70]  }
0x17: {  	v2 =	vld [tilespmem:s13+$0x4030]  }
0x18: {  	v3 =	vld [tilespmem:s13+$0x4070]  }
0x19: {  	v4 =	vld [tilespmem:s13+$0x0]  }
0x1a: {  	v6 =	vld [tilespmem:s13+$0x40]  }
0x1b: {  	v7 =	vld [tilespmem:s13+$0x4000]  }
0x1c: {  	v8 =	vld [tilespmem:s13+$0x4040]  }
0x1d: {  	v9 =	vld [tilespmem:s13+$0x10];
	v5 =	vmul.f32 v3, v0;
	v10 =	vmul.f32 v2, v1  }
0x1e: {  	v11 =	vld [tilespmem:s13+$0x50]  }
0x1f: {  	v12 =	vld [tilespmem:s13+$0x4010];
	v1 =	vmul.f32 v3, v1;
	v3 =	vadd.f32 v5, v10  }
0x20: {  	v2 =	vmul.f32 v2, v0;
	v10 =	vld [tilespmem:s13+$0x4050]  }
0x21: {  	v0 =	vld [tilespmem:s13+$0x20];
	v13 =	vmul.f32 v8, v6;
	[tilespmem:s13+$0x8070] =	vst v3;
	v3 =	vmul.f32 v7, v4  }
0x22: {  	v1 =	vsub.f32 v2, v1;
	v2 =	vld [tilespmem:s13+$0x60];
	v7 =	vmul.f32 v7, v6;
	v4 =	vmul.f32 v8, v4  }
0x23: {  	v5 =	vld [tilespmem:s13+$0x4020];
	v3 =	vsub.f32 v3, v13  }
0x24: {  	s14 =	simm.s32 $0x80;
	[tilespmem:s13+$0x8030] =	vst v1;
	v6 =	vld [tilespmem:s13+$0x4060];
	v4 =	vadd.f32 v4, v7;
	v7 =	vmul.f32 v12, v9;
	v12 =	vmul.f32 v12, v11  }
0x25: {  	v1 =	vld [tilespmem:s14+$0x30];
	v8 =	vmul.f32 v10, v11;
	v9 =	vmul.f32 v10, v9;
	[tilespmem:s13+$0x8000] =	vst v3  }
0x26: {  	v3 =	vld [tilespmem:s14+$0x70];
	[tilespmem:s13+$0x8040] =	vst v4  }
0x27: {  	s15 =	simm.s32 $0x400;
	v8 =	vsub.f32 v7, v8;
	v7 =	vadd.f32 v9, v12;
	v4 =	vld [tilespmem:s14+$0x4030]  }
.LBB2_2:
0x28: {  	p0 =	sne.s32 s15, $0xFE00;
	v9 =	vld [tilespmem:s14+$0x4070];
	v10 =	vmul.f32 v5, v0;
	v5 =	vmul.f32 v5, v2  }
0x29: {  	v11 =	vld [tilespmem:s14+$0x0];
	[tilespmem:s13+$0x8010] =	vst v8;
	v2 =	vmul.f32 v6, v2;
	v0 =	vmul.f32 v6, v0  }
0x2a: {  	v6 =	vld [tilespmem:s14+$0x40];
	[tilespmem:s13+$0x8050] =	vst v7  }
0x2b: {  	v7 =	vld [tilespmem:s14+$0x4000];
	v2 =	vsub.f32 v10, v2;
	v0 =	vadd.f32 v0, v5  }
0x2c: {  	v5 =	vld [tilespmem:s14+$0x4040];
	v8 =	vmul.f32 v4, v1  }
0x2d: {  	v4 =	vmul.f32 v4, v3;
	v10 =	vld [tilespmem:s14+$0x10];
	v1 =	vmul.f32 v9, v1;
	[tilespmem:s13+$0x8020] =	vst v2  }
0x2e: {  	v2 =	vmul.f32 v9, v3;
	v12 =	vld [tilespmem:s14+$0x50];
	[tilespmem:s13+$0x8060] =	vst v0;
	s13 =	smov.u32 s14  }
0x2f: {  	v3 =	vld [tilespmem:s13+$0x4010];
	v1 =	vadd.f32 v1, v4  }
0x30: {  	v8 =	vsub.f32 v8, v2;
	v4 =	vmul.f32 v7, v11;
	v7 =	vmul.f32 v7, v6;
	v9 =	vld [tilespmem:s13+$0x4050]  }
0x31: {  	v6 =	vmul.f32 v5, v6;
	v5 =	vmul.f32 v5, v11;
	v0 =	vld [tilespmem:s13+$0x20];
	[tilespmem:s13+$0x8070] =	vst v1  }
0x32: {  	v2 =	vld [tilespmem:s13+$0x60];
	[tilespmem:s13+$0x8030] =	vst v8  }
.Ltmp0:
0x33: {  	v4 =	vsub.f32 v4, v6;
	v7 =	vadd.f32 v5, v7;
	v5 =	vld [tilespmem:s13+$0x4020];
	(pc) =	sbr.rel @p0 .LBB2_2-.Ltmp0, $4  }
0x34: {  	s14 =	sshra.s32 s15, $0x2;
	v8 =	vmul.f32 v3, v10;
	v11 =	vmul.f32 v3, v12;
	v6 =	vld [tilespmem:s13+$0x4060]  }
0x35: {  	v1 =	vld [tilespmem:s14+$0x30];
	[tilespmem:s13+$0x8000] =	vst v4;
	v12 =	vmul.f32 v9, v12;
	v9 =	vmul.f32 v9, v10  }
0x36: {  	v3 =	vld [tilespmem:s14+$0x70];
	[tilespmem:s13+$0x8040] =	vst v7  }
0x37: {  	s15 =	sadd.s32 $0x200, s15;
	v4 =	vld [tilespmem:s14+$0x4030];
	v8 =	vsub.f32 v8, v12;
	v7 =	vadd.f32 v9, v11  }
0x38: {  	v9 =	vld [tilespmem:s14+$0x4070]  }
0x39: {  	v10 =	vld [tilespmem:s14+$0x0];
	v11 =	vmul.f32 v5, v0;
	[tilespmem:s13+$0x8010] =	vst v8;
	v12 =	vmul.f32 v6, v2  }
0x3a: {  	v37 =	vmul.f32 v5, v2;
	v38 =	vmul.f32 v6, v0;
	v8 =	vld [tilespmem:s14+$0x40];
	[tilespmem:s13+$0x8050] =	vst v7  }
0x3b: {  	v7 =	vld [tilespmem:s14+$0x4000];
	v39 =	vsub.f32 v11, v12  }
0x3c: {  	v40 =	vld [tilespmem:s14+$0x4040];
	v0 =	vadd.f32 v38, v37  }
0x3d: {  	v41 =	vld [tilespmem:s14+$0x10];
	[tilespmem:s13+$0x8020] =	vst v39  }
0x3e: {  	v42 =	vld [tilespmem:s14+$0x50];
	[tilespmem:s13+$0x8060] =	vst v0  }
0x3f: {  	v0 =	vld [tilespmem:s14+$0x4010]  }
0x40: {  	v48 =	vld [tilespmem:s14+$0x4050]  }
0x41: {  	v49 =	vld [tilespmem:s14+$0x20]  }
0x42: {  	v50 =	vld [tilespmem:s14+$0x60]  }
0x43: {  	v44 =	vmul.f32 v4, v3;
	v43 =	vmul.f32 v9, v1;
	v51 =	vld [tilespmem:s14+$0x4020]  }
0x44: {  	v45 =	vmul.f32 v4, v1;
	v46 =	vmul.f32 v9, v3;
	v52 =	vld [tilespmem:s14+$0x4060]  }
0x45: {  	v47 =	vadd.f32 v43, v44;
	v53 =	vmul.f32 v7, v10;
	v13 =	vmul.f32 v40, v8  }
0x46: {  	v1 =	vsub.f32 v45, v46;
	v7 =	vmul.f32 v7, v8;
	v6 =	vmul.f32 v40, v10  }
0x47: {  	[tilespmem:s14+$0x8070] =	vst v47;
	v54 =	vsub.f32 v53, v13;
	v55 =	vmul.f32 v0, v41;
	v56 =	vmul.f32 v48, v42  }
0x48: {  	[tilespmem:s14+$0x8030] =	vst v1;
	v6 =	vadd.f32 v6, v7;
	v0 =	vmul.f32 v0, v42;
	v57 =	vmul.f32 v48, v41  }
0x49: {  	[tilespmem:s14+$0x8000] =	vst v54;
	v59 =	vmul.f32 v51, v49;
	v60 =	vmul.f32 v52, v50;
	v58 =	vsub.f32 v55, v56  }
0x4a: {  	[tilespmem:s14+$0x8040] =	vst v6;
	v1 =	vmul.f32 v51, v50;
	v61 =	vmul.f32 v52, v49;
	v0 =	vadd.f32 v57, v0  }
0x4b: {  	v62 =	vsub.f32 v59, v60;
	[tilespmem:s14+$0x8010] =	vst v58  }
0x4c: {  	s12 =	sadd.s32 $0x1, s12;
	v63 =	vadd.f32 v61, v1;
	[tilespmem:s14+$0x8050] =	vst v0  }
0x4d: {  	p0 =	sne.s32 s12, s6;
	[tilespmem:s14+$0x8020] =	vst v62  }
.Ltmp1:
0x4e: {  	[tilespmem:s14+$0x8060] =	vst v63;
	(pc) =	sbr.rel @p0 .LBB2_1-.Ltmp1, $4  }
0x4f: {  	[hbm4b:s5+s2] =	stream.linear.scatter [tilespmem:s10], [sflag:$0x3], $0x4000, $0x38;
	[tilespmem:$0xC000] =	vst v63  }
0x50: {  	_ =	swait.ge [sflag:s11], $0x4000  }
0x51: {  	[sflag:s11] =	ssyncset.done $0x0  }
0x52: {  	[sflag:s11] =	ssyncadd.s32 $0xFFFFC000  }
0x53: {  	_ =	sfence.sel $0x180000  }
0x54: {  	[bflag:$0x0] =	sbarrier.arrive $0xFFFF  }
0x55: {  	p0 =	sne.s32 s1, $0x0;
	_ =	strace $0x90000047  }
0x56: {  	s0 =	sadd.s32 @!p0 $0x100000, s0;
	[bflag:$0x2] =	sbarrier.arrive $0xFFFF  }
0x57: {  	[sflag:s0] =	ssyncadd.tile.s32 @!p0 $0x1;
	_ =	shalt  }
.Lfunc_end2:
_tile_overlayer_lowered:
.L_overlay_start_2:
0x58: {  	(tag) =	ssettag $0x2  }
0x59: {  	s0 =	rddreg [dreg:$0x0];
	s2 =	stileid.u32  }
0x5a: {  	s1 =	rddreg [dreg:$0x1];
	p0 =	sne.s32 s2, $0x0  }
0x5b: {  	s3 =	rddreg [dreg:$0x2];
	[bflag:$0x3] =	sbarrier.arrive $0xFFFF;
	s2 =	simm.s32 @!p0 $0x1C04  }
0x5c: {  	[timem:s3], [sflag:s2] =	dma.local @!p0 [hbm:s0], s1  }
0x5d: {  	s0 =	simm.s32 @!p0 $0x4  }
0x5e: {  	_ =	swait.ge @!p0 [sflag:s0], s1  }
0x5f: {  	s1 =	ssub.s32 @!p0 $0x0, s1;
	[sflag:s0] =	ssyncset.done @!p0 $0x0  }
0x60: {  	[sflag:s0] =	ssyncadd.s32 @!p0 s1  }
0x61: {  	[bflag:$0x3] =	sbarrier.arrive $0xFFFF  }
0x62: {  	_ =	shalt  }

</sc_bundles>
